<compile_context>
chip_gen: v7x
topology: tpu7x:2x2x1
jax: 0.10.2.dev20260603
libtpu: 0.0.44.dev20260713+nightly
codegen_flags: <defaults>
</compile_context>

<pallas_src>
import functools

import jax
import jax.numpy as jnp
import numpy as np
from jax import lax
from jax.experimental import pallas as pl
from jax.experimental.pallas import tpu as pltpu
from jax.experimental.pallas import tpu_sc as plsc

H = 768
HP = H // 2
NTOK = 8192
NLBL = 64

SPLIT = 1024

NC = 2
NS = 16
NW = NC * NS
PER_W = SPLIT // NW

BT = 1024
NB_SC = SPLIT // BT
NB_OH = (NTOK - SPLIT) // BT


def _I0():
    return jnp.int32(0)


_M16 = np.int32(0xFFFF)


def _pack_bf16_pair(a, b):
    lo = lax.bitcast_convert_type(a, jnp.int16).astype(jnp.int32) & _M16
    hi = lax.bitcast_convert_type(b, jnp.int16).astype(jnp.int32) << 16
    return hi | lo


def _unpack_bf16_pair(p):
    lo = lax.bitcast_convert_type((p & _M16).astype(jnp.int16), jnp.bfloat16)
    hi = lax.bitcast_convert_type((p >> 16).astype(jnp.int16), jnp.bfloat16)
    return lo, hi


def _table_body(lf_ref, w2_ref, b_ref, tp_ref):
    t = (
        jnp.dot(lf_ref[...], w2_ref[...], preferred_element_type=jnp.float32)
        + b_ref[...].reshape(1, H)
    ).astype(jnp.bfloat16)
    tp_ref[...] = _pack_bf16_pair(t[:, :HP], t[:, HP:])


def _project_table(label_feature, w_merge, b2d):
    return pl.pallas_call(
        _table_body,
        grid=(1,),
        in_specs=[
            pl.BlockSpec((NLBL, H), lambda i: (_I0(), _I0())),
            pl.BlockSpec((H, H), lambda i: (jnp.int32(1), _I0())),
            pl.BlockSpec((H,), lambda i: (_I0(),)),
        ],
        out_specs=pl.BlockSpec((NLBL, HP), lambda i: (_I0(), _I0())),
        out_shape=jax.ShapeDtypeStruct((NLBL, HP), jnp.int32),
    )(label_feature, w_merge, b2d)


@functools.cache
def _make_sc_gather():
    @functools.partial(
        pl.kernel,
        out_type=jax.ShapeDtypeStruct((SPLIT, HP), jnp.int32),
        mesh=plsc.VectorSubcoreMesh(
            core_axis_name="c",
            subcore_axis_name="s",
            num_cores=NC,
            num_subcores=NS,
        ),
        scratch_types=[
            pltpu.VMEM((PER_W,), jnp.int32),
            pltpu.VMEM((PER_W, HP), jnp.int32),
            pltpu.SemaphoreType.DMA,
        ],
    )
    def _sc_gather(lbl_hbm, t_hbm, g_hbm, idx_v, rows_v, sem):
        wid = lax.axis_index("s") * NC + lax.axis_index("c")
        base = wid * PER_W
        pltpu.sync_copy(
            lbl_hbm.at[np.int32(0), np.int32(0), pl.ds(base, PER_W)], idx_v
        )
        for j in range(PER_W // 16):
            v = idx_v[pl.ds(j * 16, 16)]
            idx_v[pl.ds(j * 16, 16)] = jnp.maximum(v - 1, 0)
        pltpu.async_copy(t_hbm.at[idx_v], rows_v, sem).wait()
        pltpu.sync_copy(rows_v, g_hbm.at[pl.ds(base, PER_W)])

    return _sc_gather


def _merge_oh_body(x_ref, l_ref, lf_ref, w2_ref, b_ref, w1_ref, o_ref, t_s):
    @pl.when(pl.program_id(0) == 0)
    def _compute_table():
        t_s[...] = (
            jnp.dot(
                lf_ref[...], w2_ref[...], preferred_element_type=jnp.float32
            )
            + b_ref[...].reshape(1, H)
        ).astype(jnp.bfloat16)

    x = x_ref[...]
    lblr = l_ref[0]
    y = jnp.dot(
        x.astype(jnp.bfloat16), w1_ref[...].astype(jnp.bfloat16),
        preferred_element_type=jnp.float32,
    )
    oht = (
        lax.broadcasted_iota(jnp.int32, (NLBL, BT), 0) == (lblr - 1)
    ).astype(jnp.bfloat16)
    g = lax.dot_general(
        oht, t_s[...], (((0,), (0,)), ((), ())),
        preferred_element_type=jnp.float32,
    )
    m = lax.dot_general(
        oht, jnp.ones((NLBL, 1), jnp.bfloat16), (((0,), (0,)), ((), ())),
        preferred_element_type=jnp.float32,
    )
    o_ref[...] = x + m * (y + g - x)


def _merge_gather_body(x_ref, l_ref, g_ref, w1_ref, prev_ref, o_ref):
    del prev_ref
    x = x_ref[...]
    lblr = l_ref[0]
    y = jnp.dot(
        x.astype(jnp.bfloat16), w1_ref[...].astype(jnp.bfloat16),
        preferred_element_type=jnp.float32,
    )
    glo, ghi = _unpack_bf16_pair(g_ref[...])
    g = jnp.concatenate([glo, ghi], axis=1).astype(jnp.float32)
    mrow = (lblr != 0).astype(jnp.bfloat16)
    m = lax.dot_general(
        mrow, jnp.ones((1, 1), jnp.bfloat16), (((0,), (0,)), ((), ())),
        preferred_element_type=jnp.float32,
    )
    o_ref[...] = x + m * (y + g - x)


_OUT_SHAPE = jax.ShapeDtypeStruct((NTOK, H), jnp.float32)


def _NB_OFF():
    return jnp.int32(NB_SC)


def _merge_onehot(x, lbl2d, label_feature, b2d, w_merge):
    return pl.pallas_call(
        _merge_oh_body,
        grid=(NB_OH,),
        in_specs=[
            pl.BlockSpec((BT, H), lambda i: (i + _NB_OFF(), _I0())),
            pl.BlockSpec((1, 1, BT), lambda i: (i + _NB_OFF(), _I0(), _I0())),
            pl.BlockSpec((NLBL, H), lambda i: (_I0(), _I0())),
            pl.BlockSpec((H, H), lambda i: (jnp.int32(1), _I0())),
            pl.BlockSpec((H,), lambda i: (_I0(),)),
            pl.BlockSpec((H, H), lambda i: (_I0(), _I0())),
        ],
        out_specs=pl.BlockSpec((BT, H), lambda i: (i + _NB_OFF(), _I0())),
        out_shape=_OUT_SHAPE,
        scratch_shapes=[pltpu.VMEM((NLBL, H), jnp.bfloat16)],
        compiler_params=pltpu.CompilerParams(
            dimension_semantics=("parallel",)
        ),
    )(x, lbl2d, label_feature, w_merge, b2d, w_merge)


BTG = 512
NB_G = SPLIT // BTG


def _merge_gather(x, lbl2d, g, w_merge, prev):
    return pl.pallas_call(
        _merge_gather_body,
        grid=(NB_G,),
        in_specs=[
            pl.BlockSpec((BTG, H), lambda i: (i, _I0())),
            pl.BlockSpec((1, 1, BTG), lambda i: (_I0(), _I0(), i)),
            pl.BlockSpec((BTG, HP), lambda i: (i, _I0())),
            pl.BlockSpec((H, H), lambda i: (_I0(), _I0())),
            pl.BlockSpec((8, 128), lambda i: (_I0(), _I0())),
        ],
        out_specs=pl.BlockSpec((BTG, H), lambda i: (i, _I0())),
        out_shape=_OUT_SHAPE,
        input_output_aliases={4: 0},
        compiler_params=pltpu.CompilerParams(
            dimension_semantics=("parallel",)
        ),
    )(x, lbl2d, g, w_merge, prev)


def kernel(com_features, labels, label_feature, W_merge, b_merge):
    x = com_features.reshape(NTOK, H)
    lbl3d = labels.reshape(NTOK // BT, 1, BT).astype(jnp.int32)
    t_packed = _project_table(label_feature, W_merge, b_merge)
    g = _make_sc_gather()(lbl3d, t_packed)
    out = _merge_onehot(x, lbl3d, label_feature, b_merge, W_merge)
    out = _merge_gather(x, lbl3d, g, W_merge, out)
    return out.reshape(com_features.shape)

# --- scband reference (transcript-rebuilt; emitter-appended) ---
"""Pipeline reference for scband-feature-merge-29764123361765 (READ-ONLY COPY).

The authoritative reference and input builder live on the scoring server;
editing this copy changes nothing except your own understanding.
"""

import jax, jax.numpy as jnp
import numpy as np
jax.config.update("jax_enable_x64", True)


def setup_inputs(seed: int = 0) -> dict:
    key = jax.random.key(seed)
    k1, k2, k3, k4, k5 = jax.random.split(key, 5)
    com_features = jax.random.normal(k1, (4, 2048, 768), dtype=jnp.float32)
    labels = jax.random.randint(k2, (4, 2048), 0, 64, dtype=jnp.int64)
    # 'label_feature' in the torch module is a dict {k: [n_k, 768]} that the forward
    # concatenates into one table; we materialize the concatenated table directly.
    label_feature = jax.random.normal(k3, (64, 768), dtype=jnp.float32)
    # nn.Linear(768*2, 768) parameters (stored as [in, out] so forward is x @ W + b)
    W_merge = jax.random.normal(k4, (1536, 768), dtype=jnp.float32) * 0.02
    b_merge = jnp.zeros((768,), dtype=jnp.float32)
    return {
        "com_features": com_features,
        "labels": labels,
        "label_feature": label_feature,
        "W_merge": W_merge,
        "b_merge": b_merge,
    }


def reference(com_features, labels, label_feature, W_merge, b_merge):
    bsz = com_features.shape[0]
    hidden_size = com_features.shape[-1]
    tokens_emb = com_features.reshape(-1, hidden_size)
    token_labels = labels.reshape(-1)
    # active token positions (label != 0)
    active_mask = token_labels != 0
    all_label_features = label_feature  # already the concatenated table
    # label centers for every token; inactive rows use a clamped index and are
    # masked out below, so they never reach the output
    label_id = jnp.where(active_mask, token_labels - 1, 0)
    token_label_center = jnp.take(all_label_features, label_id, axis=0)
    # merge Linear on concatenated [emb, center]
    com_tok = jnp.concatenate([tokens_emb, token_label_center], axis=-1)
    merged = com_tok @ W_merge + b_merge
    # overwrite merged rows at active positions, keep originals elsewhere
    tokens_emb_update = jnp.where(active_mask[:, None], merged, tokens_emb)
    com_features_update = tokens_emb_update.reshape(bsz, -1, hidden_size)
    return com_features_update

if __name__ == "__main__":
    import jax
    _d = setup_inputs()
    print(jax.jit(kernel)(*tuple(_d.values())))

</pallas_src>

<mosaic_0001>
#map = affine_map<(d0, d1) -> (0, 0, 0)>
#map1 = affine_map<(d0, d1) -> (0, 0)>
module attributes {stable_mosaic.version = 14 : i64} {
  func.func @_sc_gather(%arg0: i32, %arg1: i32, %arg2: memref<8x1x1024xi32, #tpu.memory_space<hbm>>, %arg3: memref<64x384xi32, #tpu.memory_space<hbm>>, %arg4: memref<1024x384xi32, #tpu.memory_space<hbm>>, %arg5: memref<32xi32, #tpu.memory_space<vmem>>, %arg6: memref<32x384xi32, #tpu.memory_space<vmem>>, %arg7: memref<!tpu.dma_semaphore, #tpu.memory_space<semaphore_mem>>) attributes {dimension_semantics = [#tpu.dimension_semantics<core_parallel>, #tpu.dimension_semantics<subcore_parallel>], iteration_bounds = array<i64: 2, 16>, scalar_prefetch = 0 : i64, scratch_operands = 3 : i64, tpu.core_type = #tpu.core_type<sc_vector_subcore>, window_params = [{transform_indices = #map}, {transform_indices = #map1}, {transform_indices = #map1}]} {
    %mul3A = arith.constant 2 : i32
    %mul3A_0 = arith.muli %arg1, %mul3A : i32
    %add3A = arith.addi %mul3A_0, %arg0 : i32
    %mul3A_1 = arith.constant 32 : i32
    %mul3A_2 = arith.muli %add3A, %mul3A_1 : i32
    %run_scoped3A = arith.constant 0 : i32
    %run_scoped3A_3 = arith.constant 0 : i32
    "tpu.region"() ({
      %run_scoped3A_30 = tpu.sem_alloc : memref<!tpu.dma_semaphore, #tpu.memory_space<semaphore_mem>>
      %dma_start3A_31 = tpu.memref_slice %arg2[%run_scoped3A, %run_scoped3A_3, %mul3A_2] : memref<8x1x1024xi32, #tpu.memory_space<hbm>> -> memref<1x1x32xi32, #tpu.memory_space<hbm>>
      %dma_start3A_32 = tpu.memref_squeeze %dma_start3A_31 : memref<1x1x32xi32, #tpu.memory_space<hbm>> -> memref<32xi32, #tpu.memory_space<hbm>>
      %dma_start3A_33 = tpu.memref_slice %arg2[%run_scoped3A, %run_scoped3A_3, %mul3A_2] : memref<8x1x1024xi32, #tpu.memory_space<hbm>> -> memref<1x1x32xi32, #tpu.memory_space<hbm>>
      %dma_start3A_34 = tpu.memref_squeeze %dma_start3A_33 : memref<1x1x32xi32, #tpu.memory_space<hbm>> -> memref<32xi32, #tpu.memory_space<hbm>>
      tpu.enqueue_dma source(%dma_start3A_34 : memref<32xi32, #tpu.memory_space<hbm>>) target(%arg5 : memref<32xi32, #tpu.memory_space<vmem>>) target_semaphore(%run_scoped3A_30 : memref<!tpu.dma_semaphore, #tpu.memory_space<semaphore_mem>>)
      %dma_wait3A_35 = tpu.memref_slice %arg2[%run_scoped3A, %run_scoped3A_3, %mul3A_2] : memref<8x1x1024xi32, #tpu.memory_space<hbm>> -> memref<1x1x32xi32, #tpu.memory_space<hbm>>
      %dma_wait3A_36 = tpu.memref_squeeze %dma_wait3A_35 : memref<1x1x32xi32, #tpu.memory_space<hbm>> -> memref<32xi32, #tpu.memory_space<hbm>>
      %dma_wait3A_37 = tpu.memref_slice %arg2[%run_scoped3A, %run_scoped3A_3, %mul3A_2] : memref<8x1x1024xi32, #tpu.memory_space<hbm>> -> memref<1x1x32xi32, #tpu.memory_space<hbm>>
      %dma_wait3A_38 = tpu.memref_squeeze %dma_wait3A_37 : memref<1x1x32xi32, #tpu.memory_space<hbm>> -> memref<32xi32, #tpu.memory_space<hbm>>
      tpu.wait_dma2 semaphore(%run_scoped3A_30 : memref<!tpu.dma_semaphore, #tpu.memory_space<semaphore_mem>>) src(%dma_wait3A_38 : memref<32xi32, #tpu.memory_space<hbm>>) dst(%arg5 : memref<32xi32, #tpu.memory_space<vmem>>)
      tpu.yield
    }) : () -> ()
    %get3A = arith.constant 0 : index
    %get3A_4 = tpu.vector_load %arg5[%get3A] {strides = array<i32>} : memref<32xi32, #tpu.memory_space<vmem>>, vector<16xi32>,
    %get3A_5 = vector.shape_cast %get3A_4 : vector<16xi32> to vector<16xi32>
    %sub3A = arith.constant 1 : i32
    %sub3A_6 = vector.broadcast %sub3A : i32 to vector<16xi32>
    %sub3A_7 = arith.subi %get3A_5, %sub3A_6 : vector<16xi32>
    %max3A = arith.constant 0 : i32
    %max3A_8 = vector.broadcast %max3A : i32 to vector<16xi32>
    %max3A_9 = arith.maxsi %sub3A_7, %max3A_8 : vector<16xi32>
    %swap3A = arith.constant 0 : index
    %swap3A_10 = tpu.vector_load %arg5[%swap3A] {strides = array<i32>} : memref<32xi32, #tpu.memory_space<vmem>>, vector<16xi32>,
    %swap3A_11 = vector.shape_cast %swap3A_10 : vector<16xi32> to vector<16xi32>
    %swap3A_12 = vector.shape_cast %max3A_9 : vector<16xi32> to vector<16xi32>
    tpu.vector_store %arg5[%swap3A], %swap3A_12 {strides = array<i32>} : memref<32xi32, #tpu.memory_space<vmem>>, vector<16xi32>,
    %get3A_13 = arith.constant 16 : index
    %get3A_14 = tpu.vector_load %arg5[%get3A_13] {strides = array<i32>} : memref<32xi32, #tpu.memory_space<vmem>>, vector<16xi32>,
    %get3A_15 = vector.shape_cast %get3A_14 : vector<16xi32> to vector<16xi32>
    %sub3A_16 = arith.constant 1 : i32
    %sub3A_17 = vector.broadcast %sub3A_16 : i32 to vector<16xi32>
    %sub3A_18 = arith.subi %get3A_15, %sub3A_17 : vector<16xi32>
    %max3A_19 = arith.constant 0 : i32
    %max3A_20 = vector.broadcast %max3A_19 : i32 to vector<16xi32>
    %max3A_21 = arith.maxsi %sub3A_18, %max3A_20 : vector<16xi32>
    %swap3A_22 = arith.constant 16 : index
    %swap3A_23 = tpu.vector_load %arg5[%swap3A_22] {strides = array<i32>} : memref<32xi32, #tpu.memory_space<vmem>>, vector<16xi32>,
    %swap3A_24 = vector.shape_cast %swap3A_23 : vector<16xi32> to vector<16xi32>
    %swap3A_25 = vector.shape_cast %max3A_21 : vector<16xi32> to vector<16xi32>
    tpu.vector_store %arg5[%swap3A_22], %swap3A_25 {strides = array<i32>} : memref<32xi32, #tpu.memory_space<vmem>>, vector<16xi32>,
    %dma_start3A = arith.constant 0 : i32
    %dma_start3A_26 = arith.constant 0 : i32
    %dma_start3A_27 = tpu.memref_slice %arg3[%dma_start3A, %dma_start3A_26] : memref<64x384xi32, #tpu.memory_space<hbm>> -> memref<64x384xi32, #tpu.memory_space<hbm>>
    tpu.enqueue_indirect_dma source(%dma_start3A_27 : memref<64x384xi32, #tpu.memory_space<hbm>>) target(%arg6 : memref<32x384xi32, #tpu.memory_space<vmem>>) offsets(%arg5 : memref<32xi32, #tpu.memory_space<vmem>>) semaphore(%arg7 : memref<!tpu.dma_semaphore, #tpu.memory_space<semaphore_mem>>)
    %dma_wait3A = arith.constant 0 : i32
    %dma_wait3A_28 = arith.constant 0 : i32
    %dma_wait3A_29 = tpu.memref_slice %arg3[%dma_wait3A, %dma_wait3A_28] : memref<64x384xi32, #tpu.memory_space<hbm>> -> memref<64x384xi32, #tpu.memory_space<hbm>>
    tpu.wait_indirect_dma semaphore(%arg7 : memref<!tpu.dma_semaphore, #tpu.memory_space<semaphore_mem>>) src(%dma_wait3A_29 : memref<64x384xi32, #tpu.memory_space<hbm>>) dst(%arg6 : memref<32x384xi32, #tpu.memory_space<vmem>>)
    "tpu.region"() ({
      %run_scoped3A_30 = tpu.sem_alloc : memref<!tpu.dma_semaphore, #tpu.memory_space<semaphore_mem>>
      %dma_start3A_31 = arith.constant 0 : i32
      %dma_start3A_32 = tpu.memref_slice %arg4[%mul3A_2, %dma_start3A_31] : memref<1024x384xi32, #tpu.memory_space<hbm>> -> memref<32x384xi32, #tpu.memory_space<hbm>>
      %dma_start3A_33 = arith.constant 0 : i32
      %dma_start3A_34 = tpu.memref_slice %arg4[%mul3A_2, %dma_start3A_33] : memref<1024x384xi32, #tpu.memory_space<hbm>> -> memref<32x384xi32, #tpu.memory_space<hbm>>
      tpu.enqueue_dma source(%arg6 : memref<32x384xi32, #tpu.memory_space<vmem>>) target(%dma_start3A_34 : memref<32x384xi32, #tpu.memory_space<hbm>>) target_semaphore(%run_scoped3A_30 : memref<!tpu.dma_semaphore, #tpu.memory_space<semaphore_mem>>)
      %dma_wait3A_35 = arith.constant 0 : i32
      %dma_wait3A_36 = tpu.memref_slice %arg4[%mul3A_2, %dma_wait3A_35] : memref<1024x384xi32, #tpu.memory_space<hbm>> -> memref<32x384xi32, #tpu.memory_space<hbm>>
      %dma_wait3A_37 = arith.constant 0 : i32
      %dma_wait3A_38 = tpu.memref_slice %arg4[%mul3A_2, %dma_wait3A_37] : memref<1024x384xi32, #tpu.memory_space<hbm>> -> memref<32x384xi32, #tpu.memory_space<hbm>>
      tpu.wait_dma2 semaphore(%run_scoped3A_30 : memref<!tpu.dma_semaphore, #tpu.memory_space<semaphore_mem>>) src(%arg6 : memref<32x384xi32, #tpu.memory_space<vmem>>) dst(%dma_wait3A_38 : memref<32x384xi32, #tpu.memory_space<hbm>>)
      tpu.yield
    }) : () -> ()
    return
  }
}

module attributes {stable_mosaic.version = 14 : i64} {
  func.func @_table_body(%arg0: i32, %arg1: memref<64x768xf32, #tpu.memory_space<vmem>>, %arg2: memref<768x768xf32, #tpu.memory_space<vmem>>, %arg3: memref<768xf32, #tpu.memory_space<vmem>>, %arg4: memref<64x384xi32, #tpu.memory_space<vmem>>) attributes {dimension_semantics = [#tpu.dimension_semantics<arbitrary>], iteration_bounds = array<i64: 1>, scalar_prefetch = 0 : i64, scratch_operands = 0 : i64, tpu.core_type = #tpu.core_type<tc>, window_params = [{pipeline_mode = #tpu.pipeline_mode<synchronous>, transform_indices = @transform_0, window_bounds = array<i64: 64, 768>}, {transform_indices = @transform_1, window_bounds = array<i64: 768, 768>}, {pipeline_mode = #tpu.pipeline_mode<synchronous>, transform_indices = @transform_2, window_bounds = array<i64: 768>}, {pipeline_mode = #tpu.pipeline_mode<synchronous>, transform_indices = @transform_3, window_bounds = array<i64: 64, 384>}]} {
    %get3A = arith.constant 0 : index
    %get3A_0 = arith.constant 0 : index
    %get3A_1 = vector.load %arg1[%get3A, %get3A_0] : memref<64x768xf32, #tpu.memory_space<vmem>>, vector<64x768xf32>
    %get3A_2 = arith.constant 0 : index
    %get3A_3 = arith.constant 0 : index
    %get3A_4 = vector.load %arg2[%get3A_2, %get3A_3] : memref<768x768xf32, #tpu.memory_space<vmem>>, vector<768x768xf32>
    %dot_general3A = arith.constant dense<0.000000e+00> : vector<64x768xf32>
    %dot_general3A_5 = tpu.matmul %get3A_1, %get3A_4, %dot_general3A {dimension_numbers = #tpu.dot_dimension_numbers<[1], [0], [0], [1], [0, 0, 1, 1], [], []>, transpose_lhs_hint = false} : vector<64x768xf32>, vector<768x768xf32>, vector<64x768xf32> -> vector<64x768xf32>
    %get3A_6 = arith.constant 0 : index
    %get3A_7 = vector.load %arg3[%get3A_6] : memref<768xf32, #tpu.memory_space<vmem>>, vector<768xf32>
    %reshape3A = vector.shape_cast %get3A_7 : vector<768xf32> to vector<1x768xf32>
    %add3A = vector.broadcast %reshape3A : vector<1x768xf32> to vector<64x768xf32>
    %add3A_8 = arith.addf %dot_general3A_5, %add3A : vector<64x768xf32>
    %convert_element_type3A = arith.truncf %add3A_8 : vector<64x768xf32> to vector<64x768xbf16>
    %slice3A = vector.extract_strided_slice %convert_element_type3A {offsets = [0, 0], sizes = [64, 384], strides = [1, 1]} : vector<64x768xbf16> to vector<64x384xbf16>
    %slice3A_9 = vector.extract_strided_slice %convert_element_type3A {offsets = [0, 384], sizes = [64, 384], strides = [1, 1]} : vector<64x768xbf16> to vector<64x384xbf16>
    %bitcast_convert_type3A = tpu.bitcast %slice3A : vector<64x384xbf16> -> vector<64x384xi16>
    %convert_element_type3A_10 = arith.extsi %bitcast_convert_type3A : vector<64x384xi16> to vector<64x384xi32>
    %and3A = arith.constant 65535 : i32
    %and3A_11 = vector.broadcast %and3A : i32 to vector<64x384xi32>
    %and3A_12 = arith.andi %convert_element_type3A_10, %and3A_11 : vector<64x384xi32>
    %bitcast_convert_type3A_13 = tpu.bitcast %slice3A_9 : vector<64x384xbf16> -> vector<64x384xi16>
    %convert_element_type3A_14 = arith.extsi %bitcast_convert_type3A_13 : vector<64x384xi16> to vector<64x384xi32>
    %shift_left3A = arith.constant 16 : i32
    %shift_left3A_15 = vector.broadcast %shift_left3A : i32 to vector<64x384xi32>
    %shift_left3A_16 = arith.shli %convert_element_type3A_14, %shift_left3A_15 : vector<64x384xi32>
    %or3A = arith.ori %shift_left3A_16, %and3A_12 : vector<64x384xi32>
    %swap3A = arith.constant 0 : index
    %swap3A_17 = arith.constant 0 : index
    %swap3A_18 = vector.load %arg4[%swap3A, %swap3A_17] : memref<64x384xi32, #tpu.memory_space<vmem>>, vector<64x384xi32>
    tpu.vector_store %arg4[%swap3A, %swap3A_17], %or3A {strides = array<i32>} : memref<64x384xi32, #tpu.memory_space<vmem>>, vector<64x384xi32>,
    return
  }
  func.func @transform_0(%arg0: i32) -> (i32, i32) {
    %c0_i32 = arith.constant 0 : i32
    %c0_i32_0 = arith.constant 0 : i32
    %c0_i32_1 = arith.constant 0 : i32
    return %c0_i32, %c0_i32_0 : i32, i32
  }
  func.func @transform_1(%arg0: i32) -> (i32, i32) {
    %c1_i32 = arith.constant 1 : i32
    %c0_i32 = arith.constant 0 : i32
    %c0_i32_0 = arith.constant 0 : i32
    return %c1_i32, %c0_i32 : i32, i32
  }
  func.func @transform_2(%arg0: i32) -> i32 {
    %c0_i32 = arith.constant 0 : i32
    %c0_i32_0 = arith.constant 0 : i32
    return %c0_i32 : i32
  }
  func.func @transform_3(%arg0: i32) -> (i32, i32) {
    %c0_i32 = arith.constant 0 : i32
    %c0_i32_0 = arith.constant 0 : i32
    %c0_i32_1 = arith.constant 0 : i32
    return %c0_i32, %c0_i32_0 : i32, i32
  }
}

module attributes {stable_mosaic.version = 14 : i64} {
  func.func @_merge_oh_body(%arg0: i32, %arg1: memref<1024x768xf32, #tpu.memory_space<vmem>>, %arg2: memref<1x1x1024xi32, #tpu.memory_space<vmem>>, %arg3: memref<64x768xf32, #tpu.memory_space<vmem>>, %arg4: memref<768x768xf32, #tpu.memory_space<vmem>>, %arg5: memref<768xf32, #tpu.memory_space<vmem>>, %arg6: memref<768x768xf32, #tpu.memory_space<vmem>>, %arg7: memref<1024x768xf32, #tpu.memory_space<vmem>>, %arg8: memref<64x768xbf16, #tpu.memory_space<vmem>>) attributes {dimension_semantics = [#tpu.dimension_semantics<parallel>], iteration_bounds = array<i64: 7>, scalar_prefetch = 0 : i64, scratch_operands = 1 : i64, tpu.core_type = #tpu.core_type<tc>, window_params = [{transform_indices = @transform_0, window_bounds = array<i64: 1024, 768>}, {transform_indices = @transform_1, window_bounds = array<i64: 1, 1, 1024>}, {pipeline_mode = #tpu.pipeline_mode<synchronous>, transform_indices = @transform_2, window_bounds = array<i64: 64, 768>}, {transform_indices = @transform_3, window_bounds = array<i64: 768, 768>}, {pipeline_mode = #tpu.pipeline_mode<synchronous>, transform_indices = @transform_4, window_bounds = array<i64: 768>}, {transform_indices = @transform_5, window_bounds = array<i64: 768, 768>}, {transform_indices = @transform_6, window_bounds = array<i64: 1024, 768>}]} {
    %eq3A = arith.constant 0 : i32
    %eq3A_0 = arith.cmpi eq, %arg0, %eq3A : i32
    %convert_element_type3A = arith.extui %eq3A_0 : i1 to i32
    %cond3A = arith.constant 0 : i32
    %cond3A_1 = arith.cmpi ne, %convert_element_type3A, %cond3A : i32
    scf.if %cond3A_1 {
      %get3A_35 = arith.constant 0 : index
      %get3A_36 = arith.constant 0 : index
      %get3A_37 = vector.load %arg3[%get3A_35, %get3A_36] : memref<64x768xf32, #tpu.memory_space<vmem>>, vector<64x768xf32>
      %get3A_38 = arith.constant 0 : index
      %get3A_39 = arith.constant 0 : index
      %get3A_40 = vector.load %arg4[%get3A_38, %get3A_39] : memref<768x768xf32, #tpu.memory_space<vmem>>, vector<768x768xf32>
      %dot_general3A_41 = arith.constant dense<0.000000e+00> : vector<64x768xf32>
      %dot_general3A_42 = tpu.matmul %get3A_37, %get3A_40, %dot_general3A_41 {dimension_numbers = #tpu.dot_dimension_numbers<[1], [0], [0], [1], [0, 0, 1, 1], [], []>, transpose_lhs_hint = false} : vector<64x768xf32>, vector<768x768xf32>, vector<64x768xf32> -> vector<64x768xf32>
      %get3A_43 = arith.constant 0 : index
      %get3A_44 = vector.load %arg5[%get3A_43] : memref<768xf32, #tpu.memory_space<vmem>>, vector<768xf32>
      %reshape3A = vector.shape_cast %get3A_44 : vector<768xf32> to vector<1x768xf32>
      %add3A_45 = vector.broadcast %reshape3A : vector<1x768xf32> to vector<64x768xf32>
      %add3A_46 = arith.addf %dot_general3A_42, %add3A_45 : vector<64x768xf32>
      %convert_element_type3A_47 = arith.truncf %add3A_46 : vector<64x768xf32> to vector<64x768xbf16>
      %swap3A_48 = arith.constant 0 : index
      %swap3A_49 = arith.constant 0 : index
      %swap3A_50 = vector.load %arg8[%swap3A_48, %swap3A_49] : memref<64x768xbf16, #tpu.memory_space<vmem>>, vector<64x768xbf16>
      tpu.vector_store %arg8[%swap3A_48, %swap3A_49], %convert_element_type3A_47 {strides = array<i32>} : memref<64x768xbf16, #tpu.memory_space<vmem>>, vector<64x768xbf16>,
    } else {
    }
    %get3A = arith.constant 0 : index
    %get3A_2 = arith.constant 0 : index
    %get3A_3 = vector.load %arg1[%get3A, %get3A_2] : memref<1024x768xf32, #tpu.memory_space<vmem>>, vector<1024x768xf32>
    %get3A_4 = arith.constant 0 : index
    %get3A_5 = arith.constant 0 : index
    %get3A_6 = arith.constant 0 : index
    %get3A_7 = vector.load %arg2[%get3A_4, %get3A_5, %get3A_6] : memref<1x1x1024xi32, #tpu.memory_space<vmem>>, vector<1x1x1024xi32>
    %get3A_8 = vector.shape_cast %get3A_7 : vector<1x1x1024xi32> to vector<1x1024xi32>
    %convert_element_type3A_9 = arith.truncf %get3A_3 : vector<1024x768xf32> to vector<1024x768xbf16>
    %get3A_10 = arith.constant 0 : index
    %get3A_11 = arith.constant 0 : index
    %get3A_12 = vector.load %arg6[%get3A_10, %get3A_11] : memref<768x768xf32, #tpu.memory_space<vmem>>, vector<768x768xf32>
    %convert_element_type3A_13 = arith.truncf %get3A_12 : vector<768x768xf32> to vector<768x768xbf16>
    %dot_general3A = arith.constant dense<0.000000e+00> : vector<1024x768xf32>
    %dot_general3A_14 = tpu.matmul %convert_element_type3A_9, %convert_element_type3A_13, %dot_general3A {dimension_numbers = #tpu.dot_dimension_numbers<[1], [0], [0], [1], [0, 0, 1, 1], [], []>, transpose_lhs_hint = false} : vector<1024x768xbf16>, vector<768x768xbf16>, vector<1024x768xf32> -> vector<1024x768xf32>
    %iota3A = tpu.iota {dimensions = array<i32: 0>} : vector<64x1024xi32>
    %sub3A = arith.constant 1 : i32
    %sub3A_15 = vector.broadcast %sub3A : i32 to vector<1x1024xi32>
    %sub3A_16 = arith.subi %get3A_8, %sub3A_15 : vector<1x1024xi32>
    %eq3A_17 = vector.broadcast %sub3A_16 : vector<1x1024xi32> to vector<64x1024xi32>
    %eq3A_18 = arith.cmpi eq, %iota3A, %eq3A_17 : vector<64x1024xi32>
    %convert_element_type3A_19 = arith.extui %eq3A_18 : vector<64x1024xi1> to vector<64x1024xi32>
    %convert_element_type3A_20 = arith.sitofp %convert_element_type3A_19 : vector<64x1024xi32> to vector<64x1024xf32>
    %convert_element_type3A_21 = arith.truncf %convert_element_type3A_20 : vector<64x1024xf32> to vector<64x1024xbf16>
    %get3A_22 = arith.constant 0 : index
    %get3A_23 = arith.constant 0 : index
    %get3A_24 = vector.load %arg8[%get3A_22, %get3A_23] : memref<64x768xbf16, #tpu.memory_space<vmem>>, vector<64x768xbf16>
    %dot_general3A_25 = arith.constant dense<0.000000e+00> : vector<1024x768xf32>
    %dot_general3A_26 = tpu.matmul %convert_element_type3A_21, %get3A_24, %dot_general3A_25 {dimension_numbers = #tpu.dot_dimension_numbers<[0], [0], [1], [1], [0, 1, 1, 1], [], []>, transpose_lhs_hint = false} : vector<64x1024xbf16>, vector<64x768xbf16>, vector<1024x768xf32> -> vector<1024x768xf32>
    %broadcast_in_dim3A = arith.constant 1.000000e+00 : bf16
    %broadcast_in_dim3A_27 = vector.broadcast %broadcast_in_dim3A : bf16 to vector<64x1xbf16>
    %dot_general3A_28 = arith.constant dense<0.000000e+00> : vector<1024x1xf32>
    %dot_general3A_29 = tpu.matmul %convert_element_type3A_21, %broadcast_in_dim3A_27, %dot_general3A_28 {dimension_numbers = #tpu.dot_dimension_numbers<[0], [0], [1], [1], [0, 1, 1, 1], [], []>, transpose_lhs_hint = false} : vector<64x1024xbf16>, vector<64x1xbf16>, vector<1024x1xf32> -> vector<1024x1xf32>
    %add3A = arith.addf %dot_general3A_14, %dot_general3A_26 : vector<1024x768xf32>
    %sub3A_30 = arith.subf %add3A, %get3A_3 : vector<1024x768xf32>
    %mul3A = vector.broadcast %dot_general3A_29 : vector<1024x1xf32> to vector<1024x768xf32>
    %mul3A_31 = arith.mulf %mul3A, %sub3A_30 : vector<1024x768xf32>
    %add3A_32 = arith.addf %get3A_3, %mul3A_31 : vector<1024x768xf32>
    %swap3A = arith.constant 0 : index
    %swap3A_33 = arith.constant 0 : index
    %swap3A_34 = vector.load %arg7[%swap3A, %swap3A_33] : memref<1024x768xf32, #tpu.memory_space<vmem>>, vector<1024x768xf32>
    tpu.vector_store %arg7[%swap3A, %swap3A_33], %add3A_32 {strides = array<i32>} : memref<1024x768xf32, #tpu.memory_space<vmem>>, vector<1024x768xf32>,
    return
  }
  func.func @transform_0(%arg0: i32) -> (i32, i32) {
    %add3A = arith.constant 1 : i32
    %add3A_0 = arith.addi %arg0, %add3A : i32
    %c0_i32 = arith.constant 0 : i32
    %c0_i32_1 = arith.constant 0 : i32
    return %add3A_0, %c0_i32 : i32, i32
  }
  func.func @transform_1(%arg0: i32) -> (i32, i32, i32) {
    %add3A = arith.constant 1 : i32
    %add3A_0 = arith.addi %arg0, %add3A : i32
    %c0_i32 = arith.constant 0 : i32
    %c0_i32_1 = arith.constant 0 : i32
    %c0_i32_2 = arith.constant 0 : i32
    return %add3A_0, %c0_i32, %c0_i32_1 : i32, i32, i32
  }
  func.func @transform_2(%arg0: i32) -> (i32, i32) {
    %c0_i32 = arith.constant 0 : i32
    %c0_i32_0 = arith.constant 0 : i32
    %c0_i32_1 = arith.constant 0 : i32
    return %c0_i32, %c0_i32_0 : i32, i32
  }
  func.func @transform_3(%arg0: i32) -> (i32, i32) {
    %c1_i32 = arith.constant 1 : i32
    %c0_i32 = arith.constant 0 : i32
    %c0_i32_0 = arith.constant 0 : i32
    return %c1_i32, %c0_i32 : i32, i32
  }
  func.func @transform_4(%arg0: i32) -> i32 {
    %c0_i32 = arith.constant 0 : i32
    %c0_i32_0 = arith.constant 0 : i32
    return %c0_i32 : i32
  }
  func.func @transform_5(%arg0: i32) -> (i32, i32) {
    %c0_i32 = arith.constant 0 : i32
    %c0_i32_0 = arith.constant 0 : i32
    %c0_i32_1 = arith.constant 0 : i32
    return %c0_i32, %c0_i32_0 : i32, i32
  }
  func.func @transform_6(%arg0: i32) -> (i32, i32) {
    %add3A = arith.constant 1 : i32
    %add3A_0 = arith.addi %arg0, %add3A : i32
    %c0_i32 = arith.constant 0 : i32
    %c0_i32_1 = arith.constant 0 : i32
    return %add3A_0, %c0_i32 : i32, i32
  }
}

module attributes {stable_mosaic.version = 14 : i64} {
  func.func @_merge_gather_body(%arg0: i32, %arg1: memref<512x768xf32, #tpu.memory_space<vmem>>, %arg2: memref<1x1x512xi32, #tpu.memory_space<vmem>>, %arg3: memref<512x384xi32, #tpu.memory_space<vmem>>, %arg4: memref<768x768xf32, #tpu.memory_space<vmem>>, %arg5: memref<8x128xf32, #tpu.memory_space<vmem>>, %arg6: memref<512x768xf32, #tpu.memory_space<vmem>>) attributes {dimension_semantics = [#tpu.dimension_semantics<parallel>], iteration_bounds = array<i64: 2>, scalar_prefetch = 0 : i64, scratch_operands = 0 : i64, tpu.core_type = #tpu.core_type<tc>, window_params = [{transform_indices = @transform_0, window_bounds = array<i64: 512, 768>}, {transform_indices = @transform_1, window_bounds = array<i64: 1, 1, 512>}, {transform_indices = @transform_2, window_bounds = array<i64: 512, 384>}, {transform_indices = @transform_3, window_bounds = array<i64: 768, 768>}, {transform_indices = @transform_4, window_bounds = array<i64: 8, 128>}, {transform_indices = @transform_5, window_bounds = array<i64: 512, 768>}]} {
    %get3A = arith.constant 0 : index
    %get3A_0 = arith.constant 0 : index
    %get3A_1 = vector.load %arg1[%get3A, %get3A_0] : memref<512x768xf32, #tpu.memory_space<vmem>>, vector<512x768xf32>
    %get3A_2 = arith.constant 0 : index
    %get3A_3 = arith.constant 0 : index
    %get3A_4 = arith.constant 0 : index
    %get3A_5 = vector.load %arg2[%get3A_2, %get3A_3, %get3A_4] : memref<1x1x512xi32, #tpu.memory_space<vmem>>, vector<1x1x512xi32>
    %get3A_6 = vector.shape_cast %get3A_5 : vector<1x1x512xi32> to vector<1x512xi32>
    %convert_element_type3A = arith.truncf %get3A_1 : vector<512x768xf32> to vector<512x768xbf16>
    %get3A_7 = arith.constant 0 : index
    %get3A_8 = arith.constant 0 : index
    %get3A_9 = vector.load %arg4[%get3A_7, %get3A_8] : memref<768x768xf32, #tpu.memory_space<vmem>>, vector<768x768xf32>
    %convert_element_type3A_10 = arith.truncf %get3A_9 : vector<768x768xf32> to vector<768x768xbf16>
    %dot_general3A = arith.constant dense<0.000000e+00> : vector<512x768xf32>
    %dot_general3A_11 = tpu.matmul %convert_element_type3A, %convert_element_type3A_10, %dot_general3A {dimension_numbers = #tpu.dot_dimension_numbers<[1], [0], [0], [1], [0, 0, 1, 1], [], []>, transpose_lhs_hint = false} : vector<512x768xbf16>, vector<768x768xbf16>, vector<512x768xf32> -> vector<512x768xf32>
    %get3A_12 = arith.constant 0 : index
    %get3A_13 = arith.constant 0 : index
    %get3A_14 = vector.load %arg3[%get3A_12, %get3A_13] : memref<512x384xi32, #tpu.memory_space<vmem>>, vector<512x384xi32>
    %and3A = arith.constant 65535 : i32
    %and3A_15 = vector.broadcast %and3A : i32 to vector<512x384xi32>
    %and3A_16 = arith.andi %get3A_14, %and3A_15 : vector<512x384xi32>
    %convert_element_type3A_17 = arith.trunci %and3A_16 : vector<512x384xi32> to vector<512x384xi16>
    %bitcast_convert_type3A = tpu.bitcast %convert_element_type3A_17 : vector<512x384xi16> -> vector<512x384xbf16>
    %shift_right_arithmetic3A = arith.constant 16 : i32
    %shift_right_arithmetic3A_18 = vector.broadcast %shift_right_arithmetic3A : i32 to vector<512x384xi32>
    %shift_right_arithmetic3A_19 = arith.shrsi %get3A_14, %shift_right_arithmetic3A_18 : vector<512x384xi32>
    %convert_element_type3A_20 = arith.trunci %shift_right_arithmetic3A_19 : vector<512x384xi32> to vector<512x384xi16>
    %bitcast_convert_type3A_21 = tpu.bitcast %convert_element_type3A_20 : vector<512x384xi16> -> vector<512x384xbf16>
    %concatenate3A = tpu.concatenate %bitcast_convert_type3A, %bitcast_convert_type3A_21 in 1 : vector<512x384xbf16>, vector<512x384xbf16> -> vector<512x768xbf16>
    %convert_element_type3A_22 = arith.extf %concatenate3A : vector<512x768xbf16> to vector<512x768xf32>
    %ne3A = arith.constant 0 : i32
    %ne3A_23 = vector.broadcast %ne3A : i32 to vector<1x512xi32>
    %ne3A_24 = arith.cmpi ne, %get3A_6, %ne3A_23 : vector<1x512xi32>
    %convert_element_type3A_25 = arith.extui %ne3A_24 : vector<1x512xi1> to vector<1x512xi32>
    %convert_element_type3A_26 = arith.sitofp %convert_element_type3A_25 : vector<1x512xi32> to vector<1x512xf32>
    %convert_element_type3A_27 = arith.truncf %convert_element_type3A_26 : vector<1x512xf32> to vector<1x512xbf16>
    %broadcast_in_dim3A = arith.constant 1.000000e+00 : bf16
    %broadcast_in_dim3A_28 = vector.broadcast %broadcast_in_dim3A : bf16 to vector<1x1xbf16>
    %dot_general3A_29 = arith.constant dense<0.000000e+00> : vector<512x1xf32>
    %dot_general3A_30 = tpu.matmul %convert_element_type3A_27, %broadcast_in_dim3A_28, %dot_general3A_29 {dimension_numbers = #tpu.dot_dimension_numbers<[0], [0], [1], [1], [0, 1, 1, 1], [], []>, transpose_lhs_hint = false} : vector<1x512xbf16>, vector<1x1xbf16>, vector<512x1xf32> -> vector<512x1xf32>
    %add3A = arith.addf %dot_general3A_11, %convert_element_type3A_22 : vector<512x768xf32>
    %sub3A = arith.subf %add3A, %get3A_1 : vector<512x768xf32>
    %mul3A = vector.broadcast %dot_general3A_30 : vector<512x1xf32> to vector<512x768xf32>
    %mul3A_31 = arith.mulf %mul3A, %sub3A : vector<512x768xf32>
    %add3A_32 = arith.addf %get3A_1, %mul3A_31 : vector<512x768xf32>
    %swap3A = arith.constant 0 : index
    %swap3A_33 = arith.constant 0 : index
    %swap3A_34 = vector.load %arg6[%swap3A, %swap3A_33] : memref<512x768xf32, #tpu.memory_space<vmem>>, vector<512x768xf32>
    tpu.vector_store %arg6[%swap3A, %swap3A_33], %add3A_32 {strides = array<i32>} : memref<512x768xf32, #tpu.memory_space<vmem>>, vector<512x768xf32>,
    return
  }
  func.func @transform_0(%arg0: i32) -> (i32, i32) {
    %c0_i32 = arith.constant 0 : i32
    %c0_i32_0 = arith.constant 0 : i32
    return %arg0, %c0_i32 : i32, i32
  }
  func.func @transform_1(%arg0: i32) -> (i32, i32, i32) {
    %c0_i32 = arith.constant 0 : i32
    %c0_i32_0 = arith.constant 0 : i32
    %c0_i32_1 = arith.constant 0 : i32
    return %c0_i32, %c0_i32_0, %arg0 : i32, i32, i32
  }
  func.func @transform_2(%arg0: i32) -> (i32, i32) {
    %c0_i32 = arith.constant 0 : i32
    %c0_i32_0 = arith.constant 0 : i32
    return %arg0, %c0_i32 : i32, i32
  }
  func.func @transform_3(%arg0: i32) -> (i32, i32) {
    %c0_i32 = arith.constant 0 : i32
    %c0_i32_0 = arith.constant 0 : i32
    %c0_i32_1 = arith.constant 0 : i32
    return %c0_i32, %c0_i32_0 : i32, i32
  }
  func.func @transform_4(%arg0: i32) -> (i32, i32) {
    %c0_i32 = arith.constant 0 : i32
    %c0_i32_0 = arith.constant 0 : i32
    %c0_i32_1 = arith.constant 0 : i32
    return %c0_i32, %c0_i32_0 : i32, i32
  }
  func.func @transform_5(%arg0: i32) -> (i32, i32) {
    %c0_i32 = arith.constant 0 : i32
    %c0_i32_0 = arith.constant 0 : i32
    return %arg0, %c0_i32 : i32, i32
  }
}

</mosaic_0001>

<sc_bundles>
// kernel: kernel.6.cloned.1.call-start
scs
__scs_entry_jumppad:
0x0: {  	(pc) =	sbr.rel $0x88, $3  }
0x1: {  	(tag) =	ssettag $0x0;
	lr =	simm.s32 $0x1  }
0x2: {  	[smem:$0x3F9C] =	sst lr;
	_ =	strace $0xD0000000  }
0x3: {  	_ = 	snop  }
0x4: {  	_ = 	snop  }
0x5: {  	_ = 	snop  }
0x6: {  	_ = 	snop  }
0x7: {  	_ = 	snop  }
__scs_overlays_trampoline_lowered:
0x8: {  	[smem:$0x3FAB] =	sst s0  }
0x9: {  	[smem:$0x3FAC] =	sst s1  }
0xa: {  	[smem:$0x3FAD] =	sst s2  }
0xb: {  	[smem:$0x3FAE] =	sst s3  }
0xc: {  	[smem:$0x3FAF] =	sst s4  }
0xd: {  	[smem:$0x3FB0] =	sst s5  }
0xe: {  	[smem:$0x3FB1] =	sst s6  }
0xf: {  	[smem:$0x3FB2] =	sst s7  }
0x10: {  	[smem:$0x3FB3] =	sst s8  }
0x11: {  	[smem:$0x3FB4] =	sst s9;
	s0 =	simm.s32 @!p0 $0x0  }
0x12: {  	s1 =	sld [smem:$0x3F9A];
	s0 =	simm.s32 @p0 $0x1  }
0x13: {  	[smem:$0x3FB5] =	sst s0;
	s0 =	simm.s32 @!p1 $0x0  }
0x14: {  	s2 =	sld [smem:$0x3F99];
	s0 =	simm.s32 @p1 $0x1  }
0x15: {  	[smem:$0x3FB6] =	sst s0;
	s0 =	simm.s32 @!p2 $0x0  }
0x16: {  	s3 =	sld [smem:$0x3FDB];
	s0 =	simm.s32 @p2 $0x1  }
0x17: {  	s4 =	simm.s32 $0x1BF5;
	[smem:$0x3FB8] =	sst s0  }
0x18: {  	s0 =	sld [smem:$0x3F9B];
	_ =	swait.ge [sflag:s4], $0x0  }
0x19: {  	s7 =	sld [smem:$0x3F9C]  }
0x1a: {  	s8 =	sadd.s32 $0xFFFFE003, lr  }
0x1b: {  	s9 =	sadd.s32 $0xFFFFFEF7, lr;
	s5 =	simm.s32 $0xFFFFFFFF;
	p2 =	slt.u32 s8, $0xFFFFF086  }
0x1c: {  	p1 =	slt.u32 s9, $0xF7A;
	s5 =	simm.s32 @!p2 $0x0  }
0x1d: {  	s5 =	simm.s32 @p1 $0x1;
	p0 =	seq.s32 s7, s2  }
0x1e: {  	s7 =	smul.u32 @!p0 $0xF7A, s2;
	p2 =	seq.s32 @!p0 s5, $0x0  }
0x1f: {  	s9 =	smul.u32 $0xF7A, s1;
	s8 =	simm.s32 @!p0 $0x1BF5;
	p2 =	por !p2, p0  }
0x20: {  	[sflag:s8] =	ssyncset.s32 @!p0 $0xFFFFF086;
	s6 =	sadd.s32 @!p0 s3, s7;
	s7 =	simm.s32 @!p0 $0x108  }
0x21: {  	s3 =	sadd.s32 s3, s9;
	s6 =	sadd.s32 @!p0 $0x88, s6;
	s7 =	simm.s32 @p2 $0x1082  }
0x22: {  	[simem:s7], [sflag:s8] =	dma.local @!p0 [hbm:s6], $0xF7A  }
0x23: {  	s9 =	sor.u32 $0xD0000000, s2;
	s6 =	simm.s32 $0x108;
	_ =	swait.ge @!p0 [sflag:s8], $0x0  }
0x24: {  	s3 =	sadd.s32 $0x88, s3;
	s6 =	simm.s32 @!p1 $0x1082;
	[sflag:s4] =	ssyncset.s32 $0xFFFFF086  }
0x25: {  	[simem:s6], [sflag:s4] =	dma.local [hbm:s3], $0xF7A  }
0x26: {  	[smem:$0x3F9C] =	sst s1;
	(tag) =	ssettag s2;
	_ =	strace s9  }
0x27: {  	s1 =	sld [smem:$0x3FAC]  }
0x28: {  	s2 =	sld [smem:$0x3FAD]  }
0x29: {  	s4 =	sld [smem:$0x3FAF]  }
0x2a: {  	p0 =	seq.s32 s5, $0x0;
	s5 =	sld [smem:$0x3FB0]  }
0x2b: {  	s6 =	sld [smem:$0x3FB1]  }
0x2c: {  	s7 =	sld [smem:$0x3FB2]  }
0x2d: {  	s3 =	simm.s32 $0x108;
	s8 =	sld [smem:$0x3FB3]  }
0x2e: {  	s3 =	simm.s32 @!p0 $0x1082;
	s9 =	sld [smem:$0x3FB4]  }
0x2f: {  	lr =	sadd.s32 s0, s3;
	s0 =	sld [smem:$0x3FAB]  }
0x30: {  	s3 =	sld [smem:$0x3FAE]  }
0x31: {  	[smem:$0x3FB7] =	sst s10  }
0x32: {  	s10 =	sld [smem:$0x3FB5];
	_ =	sdelay $0x3  }
0x33: {  	p0 =	seq.s32 s10, $0x1;
	s10 =	sld [smem:$0x3FB7];
	_ =	sdelay $0x3  }
0x34: {  	[smem:$0x3FB7] =	sst s10  }
0x35: {  	s10 =	sld [smem:$0x3FB6];
	_ =	sdelay $0x3  }
0x36: {  	p1 =	seq.s32 s10, $0x1;
	s10 =	sld [smem:$0x3FB7];
	_ =	sdelay $0x3  }
0x37: {  	[smem:$0x3FB7] =	sst s10  }
0x38: {  	s10 =	sld [smem:$0x3FB8]  }
0x39: {  	_ = 	snop;
	(pc) =	sbr.ind lr, $3  }
0x3a: {  	_ = 	snop  }
0x3b: {  	_ = 	snop  }
0x3c: {  	p2 =	seq.s32 s10, $0x1;
	s10 =	sld [smem:$0x3FB7]  }
0x3d: {  	_ =	shalt  }
0x3e: {  	_ =	shalt  }
0x3f: {  	_ =	shalt  }
0x40: {  	_ =	shalt  }
0x41: {  	_ =	shalt  }
0x42: {  	_ =	shalt  }
0x43: {  	_ =	shalt  }
0x44: {  	_ =	shalt  }
0x45: {  	_ =	shalt  }
0x46: {  	_ =	shalt  }
0x47: {  	_ =	shalt  }
0x48: {  	_ =	shalt  }
0x49: {  	_ =	shalt  }
0x4a: {  	_ =	shalt  }
0x4b: {  	_ =	shalt  }
0x4c: {  	_ =	shalt  }
0x4d: {  	_ =	shalt  }
0x4e: {  	_ =	shalt  }
0x4f: {  	_ =	shalt  }
0x50: {  	_ =	shalt  }
0x51: {  	_ =	shalt  }
0x52: {  	_ =	shalt  }
0x53: {  	_ =	shalt  }
0x54: {  	_ =	shalt  }
0x55: {  	_ =	shalt  }
0x56: {  	_ =	shalt  }
0x57: {  	_ =	shalt  }
0x58: {  	_ =	shalt  }
0x59: {  	_ =	shalt  }
0x5a: {  	_ =	shalt  }
0x5b: {  	_ =	shalt  }
0x5c: {  	_ =	shalt  }
0x5d: {  	_ =	shalt  }
0x5e: {  	_ =	shalt  }
0x5f: {  	_ =	shalt  }
0x60: {  	_ =	shalt  }
0x61: {  	_ =	shalt  }
0x62: {  	_ =	shalt  }
0x63: {  	_ =	shalt  }
0x64: {  	_ =	shalt  }
0x65: {  	_ =	shalt  }
0x66: {  	_ =	shalt  }
0x67: {  	_ =	shalt  }
0x68: {  	_ =	shalt  }
0x69: {  	_ =	shalt  }
0x6a: {  	_ =	shalt  }
0x6b: {  	_ =	shalt  }
0x6c: {  	_ =	shalt  }
0x6d: {  	_ =	shalt  }
0x6e: {  	_ =	shalt  }
0x6f: {  	_ =	shalt  }
0x70: {  	_ =	shalt  }
0x71: {  	_ =	shalt  }
0x72: {  	_ =	shalt  }
0x73: {  	_ =	shalt  }
0x74: {  	_ =	shalt  }
0x75: {  	_ =	shalt  }
0x76: {  	_ =	shalt  }
0x77: {  	_ =	shalt  }
0x78: {  	_ =	shalt  }
0x79: {  	_ =	shalt  }
0x7a: {  	_ =	shalt  }
0x7b: {  	_ =	shalt  }
0x7c: {  	_ =	shalt  }
0x7d: {  	_ =	shalt  }
0x7e: {  	_ =	shalt  }
0x7f: {  	_ =	shalt  }
0x80: {  	_ =	shalt  }
0x81: {  	_ =	shalt  }
0x82: {  	_ =	shalt  }
0x83: {  	_ =	shalt  }
0x84: {  	_ =	shalt  }
0x85: {  	_ =	shalt  }
0x86: {  	_ =	shalt  }
0x87: {  	_ =	shalt  }
.Lfunc_end0:
.L_simem_size_0:
called_computation_lowered:
.L_overlay_start_0:
0x88: {  	s2 =	sld [smem:$0x3FD9]  }
0x89: {  	s3 =	sld [smem:$0x3FFE];
	_ =	sdelay $0x1  }
0x8a: {  	s1 =	srdreg.scid  }
0x8b: {  	s0 =	sand.u32 $0x1, s1  }
0x8c: {  	s16 =	sshll.u32 s0, $0xA;
	s2 =	sadd.s32 s3, s2  }
0x8d: {  	s2 =	sadd.s32 s2, s16  }
0x8e: {  	[smem:$0x3FC3] =	sst s2  }
0x8f: {  	_ = 	snop  }
0x90: {  	(tm) =	ssettm $0x1  }
0x91: {  	s17 =	sld [smem:$0x3FFB];
	_ =	sdelay $0x3  }
0x92: {  	_ =	strace s17  }
0x93: {  	s2 =	sld [smem:$0x3FFC];
	_ =	sdelay $0x3  }
0x94: {  	_ =	strace s2  }
0x95: {  	s2 =	sld [smem:$0x3FFD];
	_ =	sdelay $0x3  }
0x96: {  	_ =	strace s2  }
0x97: {  	_ =	strace $0x8FFFFFFF  }
0x98: {  	s18 =	sld [smem:$0x3FDB];
	_ =	sdelay $0x1  }
0x99: {  	s19 =	simm.s32 $_scs_section_size  }
0x9a: {  	s4 =	simm.s32 $_size__tile_overlayer_lowered;
	s5 =	simm.s32 $_tile_overlayer_lowered  }
0x9b: {  	s22 =	simm.s32 $0x1BFF;
	s21 =	sshll.u32 s5, $0x1;
	s2 =	sadd.s32 s19, s18  }
0x9c: {  	s6 =	simm.s32 $0x0;
	s20 =	sshll.u32 s4, $0x1;
	s4 =	sadd.s32 s21, s2  }
0x9d: {  	[timem:s6], [sflag:s22] =	dma.local [hbm:s4], s20  }
0x9e: {  	_ =	swait.ge [sflag:s22], s20  }
0x9f: {  	s3 =	ssub.s32 $0x0, s20;
	[sflag:s22] =	ssyncset.done $0x0  }
0xa0: {  	[sflag:s22] =	ssyncadd.s32 s3;
	_ =	sdelay $0x1  }
0xa1: {  	s23 =	simm.s32 $0x1B8B  }
0xa2: {  	_ =	swait.ge [sflag:s23], $0x1  }
0xa3: {  	[sflag:s23] =	ssyncset.done $0x0  }
0xa4: {  	s25 =	simm.s32 $0x1B8E;
	s24 =	sld [smem:$0x3FFE];
	[sflag:s23] =	ssyncadd.s32 $0xFFFFFFFF  }
0xa5: {  	s26 =	simm.s32 $execute0_lowered;
	[smem:$0x3FD2] =	sst s25  }
0xa6: {  	s4 =	sshll.u32 s26, $0x1;
	_ =	strace $0x80000046;
	[dreg:$0x1] =	wrdreg $0xFFFFFFFF  }
0xa7: {  	s28 =	simm.s32 $_size_execute0_lowered;
	s2 =	sadd.s32 s2, s4;
	[dreg:$0x0] =	wrdreg $0x0  }
0xa8: {  	s4 =	sshll.u32 s28, $0x1;
	[dreg:$0x2] =	wrdreg s2  }
0xa9: {  	[dreg:$0x3] =	wrdreg s4  }
0xaa: {  	[dreg:$0x4] =	wrdreg $0xC0  }
0xab: {  	_ =	task [dreg:s6], $0x5FFFF  }
0xac: {  	[dreg:$0x1] =	wrdreg $0xFFFFFFFF  }
0xad: {  	[dreg:$0x0] =	wrdreg $0x60  }
0xae: {  	[dreg:$0x2] =	wrdreg s24  }
0xaf: {  	[dreg:$0x3] =	wrdreg $0x9  }
0xb0: {  	_ =	task.clear_ibuf [dreg:s6], $0x4FFFF;
	_ =	strace $0x90000046  }
0xb1: {  	s29 =	simm.s32 $0x9;
	_ =	strace $0x80000048  }
0xb2: {  	_ =	swait.ge [sflag:s29], $0x1  }
0xb3: {  	[sflag:s29] =	ssyncadd.s32 $0xFFFFFFFF  }
0xb4: {  	_ =	strace $0x90000048  }
0xb5: {  	_ =	sfence  }
0xb6: {  	s30 =	sld [smem:$0x0];
	_ =	sdelay $0x2  }
0xb7: {  	s31 =	sshll.u32 s1, $0xD;
	s1 =	sshrl.u32 s1, $0x2  }
0xb8: {  	s3 =	sand.u32 $0x4000, s31;
	s1 =	sadd.s32 s1, s30  }
0xb9: {  	s0 =	sor.u32 s3, s0;
	s1 =	sshll.u32 s1, $0x11  }
0xba: {  	s0 =	sor.u32 s1, s0  }
0xbb: {  	s0 =	sadd.s32 $0x8F2B, s0  }
0xbc: {  	[sflag:s0] =	ssyncadd.remote.s32 $0x1  }
0xbd: {  	_ =	sfence.sel $0xFFFF  }
0xbe: {  	[dreg:$0x0] =	wrdreg $0xFFFFFFFF;
	(pc) =	sbr.abs _section_cstart, $3  }
0xbf: {  	[dreg:$0x1] =	wrdreg $0xFFFFFFFF  }
0xc0: {  	_ =	task.clear_ibuf [dreg:s6], $0x2FFFF;
	_ =	strace $0x9FFFFFFF  }
0xc1: {  	(tm) =	ssettm $0x7FFFFFFF  }
tec
execute0_lowered:
.L_overlay_start_1:
0x0: {  	(tag) =	ssettag $0x1  }
0x1: {  	s1 =	srdreg.scid;
	s0 =	stileid.u32  }
0x2: {  	s5 =	rddreg [dreg:$0x0];
	s2 =	simm.s32 $0x0;
	s9 =	simm.s32 $0x80  }
0x3: {  	s10 =	simm.s32 $0x880;
	s11 =	simm.s32 $0xC80;
	s12 =	simm.s32 $0x1480  }
0x4: {  	s13 =	simm.s32 $0x1880;
	s14 =	simm.s32 $0x2080;
	s15 =	simm.s32 $0x2480  }
0x5: {  	s16 =	simm.s32 $0x2C80;
	s17 =	simm.s32 $0x1;
	s3 =	sand.u32 $0x1, s1  }
0x6: {  	s4 =	sshll.u32 s0, $0x3;
	s1 =	rddreg [dreg:$0x1];
	s6 =	sshll.u32 s3, $0x2  }
0x7: {  	[smem:$0x7FF] =	sst s2;
	s7 =	ssub.s32 $0x2, s3;
	s4 =	sor.u32 s6, s4  }
0x8: {  	_ =	strace $0x80000047;
	s8 =	sshrl.u32 s7, $0x1;
	s6 =	smul.u32 $0x180, s4  }
0x9: {  	v2 =	vlaneseq.u32;
	s3 =	sadd.s32 $0x2200, s5;
	s4 =	sadd.s32 s4, s5;
	s7 =	ssub.s32 s7, s8  }
0xa: {  	vm0 =	vmmov $0xffff;
	vm1 =	vmmov $0xff;
	v1 =	vshrl.u32 v2, $0x3;
	s8 =	simm.s32 $0x2;
	s4 =	sadd.s32 $0x1E00, s4;
	s6 =	sadd.s32 s6, s5  }
0xb: {  	v0 =	vand.u32 $0x7, v2;
	v2 =	vor.u32 $0x8, v2;
	v1 =	vmul.u32 $0x8, v1;
	s7 =	smax.u32 s7, $0x1;
	s5 =	sadd.s32 $0x2300, s5;
	s6 =	sadd.s32 $0x2E00, s6  }
.LBB2_1:
0xc: {  	[tilespmem:s2], [sflag:$0x2] =	stream.linear.gather [hbm4b:s4+s2], $0x20, $0x38;
	[tilespmem:$0x3080] =	vst v63  }
0xd: {  	_ =	swait.ge [sflag:s8], $0x20  }
0xe: {  	[sflag:s8] =	ssyncset.done $0x0  }
0xf: {  	[sflag:s8] =	ssyncadd.s32 $0xFFFFFFE0  }
0x10: {  	v3 =	vld [tilespmem:$0x0];
	_ =	sdelay $0x4  }
0x11: {  	v3 =	vadd.s32 $0xFFFFFFFF, v3  }
0x12: {  	vm2 =	vgt.s32 v3, $0x0  }
0x13: {  	v3 =	vnsel vm2, $0x0, v3  }
0x14: {  	v4 =	vshrl.u32 v3, $0x3  }
0x15: {  	v4 =	vmul.u32 $0x18, v4  }
0x16: {  	v5 =	vld [tilespmem:$0x10];
	v6 =	vand.u32 $0x7, v3  }
0x17: {  	v4 =	vor.u32 v6, v4  }
0x18: {  	v6 =	vperm.xlane v4, v0;
	_ =	sdelay $0x1  }
0x19: {  	v6 =	vadd.s32 v1, v6  }
0x1a: {  	v5 =	vadd.s32 $0xFFFFFFFF, v5  }
0x1b: {  	vm2 =	vgt.s32 v5, $0x0;
	v4 =	vperm.xlane v4, v2  }
0x1c: {  	[tilespmem:$0x0] =	vst v3;
	v3 =	vnsel vm2, $0x0, v5  }
0x1d: {  	[tilespmem:$0x10] =	vst v3;
	v3 =	vadd.s32 v1, v4  }
0x1e: {  	[tilespmem:s9], [sflag:$0x1] =	stream.indirect_vreg.gather [hbm4b:s3+s2], $0x80, v6, vm0, $0xb8;
	[tilespmem:$0x3080] =	vst v63  }
0x1f: {  	_ = 	snop  }
0x20: {  	[tilespmem:s10], [sflag:$0x1] =	stream.indirect_vreg.gather [hbm4b:s5+s2], $0x80, v6, vm1, $0xb8;
	[tilespmem:$0x3080] =	vst v63  }
0x21: {  	_ = 	snop  }
0x22: {  	[tilespmem:s11], [sflag:$0x1] =	stream.indirect_vreg.gather [hbm4b:s3+s2], $0x80, v3, vm0, $0xb8;
	[tilespmem:$0x3080] =	vst v63  }
0x23: {  	_ = 	snop  }
0x24: {  	[tilespmem:s12], [sflag:$0x1] =	stream.indirect_vreg.gather [hbm4b:s5+s2], $0x80, v3, vm1, $0xb8;
	[tilespmem:$0x3080] =	vst v63  }
0x25: {  	v3 =	vld [tilespmem:$0x10];
	_ =	sdelay $0x4  }
0x26: {  	v63 =	vshrl.u32 v3, $0x3  }
0x27: {  	v4 =	vmul.u32 $0x18, v63  }
0x28: {  	v3 =	vand.u32 $0x7, v3  }
0x29: {  	v3 =	vor.u32 v3, v4  }
0x2a: {  	v4 =	vperm.xlane v3, v0;
	_ =	sdelay $0x1  }
0x2b: {  	v4 =	vadd.s32 v1, v4;
	_ =	sdelay $0x1  }
0x2c: {  	v3 =	vperm.xlane v3, v2;
	_ =	sdelay $0x1  }
0x2d: {  	v3 =	vadd.s32 v1, v3  }
0x2e: {  	[tilespmem:s13], [sflag:$0x1] =	stream.indirect_vreg.gather [hbm4b:s3+s2], $0x80, v4, vm0, $0xb8;
	[tilespmem:$0x3080] =	vst v63  }
0x2f: {  	_ = 	snop  }
0x30: {  	[tilespmem:s14], [sflag:$0x1] =	stream.indirect_vreg.gather [hbm4b:s5+s2], $0x80, v4, vm1, $0xb8;
	[tilespmem:$0x3080] =	vst v63  }
0x31: {  	_ = 	snop  }
0x32: {  	[tilespmem:s15], [sflag:$0x1] =	stream.indirect_vreg.gather [hbm4b:s3+s2], $0x80, v3, vm0, $0xb8;
	[tilespmem:$0x3080] =	vst v63  }
0x33: {  	_ = 	snop  }
0x34: {  	[tilespmem:s16], [sflag:$0x1] =	stream.indirect_vreg.gather [hbm4b:s5+s2], $0x80, v3, vm1, $0xb8;
	[tilespmem:$0x3080] =	vst v63  }
0x35: {  	_ =	swait.ge [sflag:s17], $0x3000  }
0x36: {  	p0 =	sne.s32 s7, $0x1;
	[sflag:s17] =	ssyncset.done $0x0  }
.Ltmp0:
0x37: {  	[sflag:s17] =	ssyncadd.s32 $0xFFFFD000;
	(pc) =	sbr.rel @p0 .LBB2_1-.Ltmp0, $4  }
0x38: {  	[hbm4b:s6+s2] =	stream.linear.scatter [tilespmem:s9], [sflag:$0x2], $0x3000, $0x38;
	[tilespmem:$0x3080] =	vst v63  }
0x39: {  	_ =	swait.ge [sflag:s8], $0x3000  }
0x3a: {  	[sflag:s8] =	ssyncset.done $0x0  }
0x3b: {  	s7 =	sadd.s32 $0xFFFFFFFF, s7;
	[sflag:s8] =	ssyncadd.s32 $0xFFFFD000  }
0x3c: {  	_ =	sfence.sel $0x180000  }
0x3d: {  	[bflag:$0x0] =	sbarrier.arrive $0xFFFF  }
0x3e: {  	p0 =	sne.s32 s0, $0x0;
	_ =	strace $0x90000047  }
0x3f: {  	s0 =	sadd.s32 @!p0 $0x100000, s1;
	[bflag:$0x2] =	sbarrier.arrive $0xFFFF  }
0x40: {  	[sflag:s0] =	ssyncadd.tile.s32 @!p0 $0x1;
	_ =	shalt  }
.Lfunc_end2:
_tile_overlayer_lowered:
.L_overlay_start_2:
0x41: {  	(tag) =	ssettag $0x2  }
0x42: {  	s0 =	rddreg [dreg:$0x0];
	s2 =	stileid.u32  }
0x43: {  	s1 =	rddreg [dreg:$0x1];
	p0 =	sne.s32 s2, $0x0  }
0x44: {  	s3 =	rddreg [dreg:$0x2];
	[bflag:$0x3] =	sbarrier.arrive $0xFFFF;
	s2 =	simm.s32 @!p0 $0x1C02  }
0x45: {  	[timem:s3], [sflag:s2] =	dma.local @!p0 [hbm:s0], s1  }
0x46: {  	s0 =	simm.s32 @!p0 $0x2  }
0x47: {  	_ =	swait.ge @!p0 [sflag:s0], s1  }
0x48: {  	s1 =	ssub.s32 @!p0 $0x0, s1;
	[sflag:s0] =	ssyncset.done @!p0 $0x0  }
0x49: {  	[sflag:s0] =	ssyncadd.s32 @!p0 s1  }
0x4a: {  	[bflag:$0x3] =	sbarrier.arrive $0xFFFF  }
0x4b: {  	_ =	shalt  }

</sc_bundles>
